<compile_context>
chip_gen: v7x
topology: tpu7x:2x2x1
jax: 0.10.2.dev20260603
libtpu: 0.0.44.dev20260713+nightly
codegen_flags: <defaults>
</compile_context>

<pallas_src>
import jax
import jax.numpy as jnp
from jax.experimental import pallas as pl


_ROWS = 4096
_SEQ = 50
_NUM = 256
_TOTAL = _ROWS * _SEQ
_BLOCK_M = 2048
_GRID = _TOTAL // _BLOCK_M


def _onehot_block(idx_ref, out_ref):
    idx = idx_ref[0, 0, :]
    iota = jax.lax.broadcasted_iota(jnp.int32, (_BLOCK_M, _NUM), 1)
    out_ref[...] = (idx[:, None] == iota).astype(jnp.float32)


def kernel(input_tensor):
    idx = input_tensor.reshape(_GRID, 1, _BLOCK_M)
    flat = pl.pallas_call(
        _onehot_block,
        grid=(_GRID,),
        in_specs=[pl.BlockSpec((1, 1, _BLOCK_M), lambda i: (i, 0, 0))],
        out_specs=pl.BlockSpec((_BLOCK_M, _NUM), lambda i: (i, 0)),
        out_shape=jax.ShapeDtypeStruct((_TOTAL, _NUM), jnp.float32),
    )(idx)
    return flat.reshape(_ROWS, _SEQ, _NUM)

# --- scband reference (transcript-rebuilt; emitter-appended) ---
"""Pipeline reference for scband-character-one-hot-embedding-36386962932021 (READ-ONLY COPY).

The authoritative reference and input builder live on the scoring server;
editing this copy changes nothing except your own understanding.
"""

import jax, jax.numpy as jnp
import numpy as np

NUM_EMBEDDINGS = 256

def setup_inputs(seed: int = 0) -> dict:
    key = jax.random.key(seed)
    input_tensor = jax.random.randint(key, (4096, 50), 0, NUM_EMBEDDINGS, dtype=jnp.int64 if jax.config.jax_enable_x64 else jnp.int32)
    return {"input_tensor": input_tensor}

def reference(input_tensor) -> jnp.ndarray:
    # Faithful translation of CharacterOneHotEmbedding.forward:
    # one_hot(input, num_classes=256).float()
    one_hot = jax.nn.one_hot(input_tensor, NUM_EMBEDDINGS, dtype=jnp.float32)
    return one_hot

if __name__ == "__main__":
    import jax
    _d = setup_inputs()
    print(jax.jit(kernel)(*tuple(_d.values())))

</pallas_src>

<mosaic_0001>
module attributes {stable_mosaic.version = 14 : i64} {
  func.func @_onehot_block(%arg0: i32, %arg1: memref<1x1x2048xi32, #tpu.memory_space<vmem>>, %arg2: memref<2048x256xf32, #tpu.memory_space<vmem>>) attributes {dimension_semantics = [#tpu.dimension_semantics<arbitrary>], iteration_bounds = array<i64: 100>, scalar_prefetch = 0 : i64, scratch_operands = 0 : i64, tpu.core_type = #tpu.core_type<tc>, window_params = [{transform_indices = @transform_0, window_bounds = array<i64: 1, 1, 2048>}, {transform_indices = @transform_1, window_bounds = array<i64: 2048, 256>}]} {
    %get3A = arith.constant 0 : index
    %get3A_0 = arith.constant 0 : index
    %get3A_1 = arith.constant 0 : index
    %get3A_2 = vector.load %arg1[%get3A, %get3A_0, %get3A_1] : memref<1x1x2048xi32, #tpu.memory_space<vmem>>, vector<1x1x2048xi32>
    %get3A_3 = vector.shape_cast %get3A_2 : vector<1x1x2048xi32> to vector<2048xi32>
    %iota3A = tpu.iota {dimensions = array<i32: 1>} : vector<2048x256xi32>
    %broadcast_in_dim3A = vector.shape_cast %get3A_3 : vector<2048xi32> to vector<2048x1xi32>
    %eq3A = vector.broadcast %broadcast_in_dim3A : vector<2048x1xi32> to vector<2048x256xi32>
    %eq3A_4 = arith.cmpi eq, %eq3A, %iota3A : vector<2048x256xi32>
    %convert_element_type3A = arith.extui %eq3A_4 : vector<2048x256xi1> to vector<2048x256xi32>
    %convert_element_type3A_5 = arith.sitofp %convert_element_type3A : vector<2048x256xi32> to vector<2048x256xf32>
    %swap3A = arith.constant 0 : index
    %swap3A_6 = arith.constant 0 : index
    %swap3A_7 = vector.load %arg2[%swap3A, %swap3A_6] : memref<2048x256xf32, #tpu.memory_space<vmem>>, vector<2048x256xf32>
    tpu.vector_store %arg2[%swap3A, %swap3A_6], %convert_element_type3A_5 {strides = array<i32>} : memref<2048x256xf32, #tpu.memory_space<vmem>>, vector<2048x256xf32>,
    return
  }
  func.func @transform_0(%arg0: i32) -> (i32, i32, i32) {
    %c0_i32 = arith.constant 0 : i32
    %c0_i32_0 = arith.constant 0 : i32
    %c0_i32_1 = arith.constant 0 : i32
    return %arg0, %c0_i32, %c0_i32_0 : i32, i32, i32
  }
  func.func @transform_1(%arg0: i32) -> (i32, i32) {
    %c0_i32 = arith.constant 0 : i32
    %c0_i32_0 = arith.constant 0 : i32
    return %arg0, %c0_i32 : i32, i32
  }
}

</mosaic_0001>

<sc_bundles>
// kernel: sparse-core-data-format-call.cloned.1.call-start
scs
called_computation_lowered:
.L_overlay_start_0:
0x0: {  	s2 =	sld [smem:$0x3FD9]  }
0x1: {  	s3 =	sld [smem:$0x3FFE];
	_ =	sdelay $0x1  }
0x2: {  	s1 =	srdreg.scid  }
0x3: {  	s0 =	sand.u32 $0x1, s1  }
0x4: {  	s18 =	sshll.u32 s0, $0xA;
	s2 =	sadd.s32 s3, s2  }
0x5: {  	s2 =	sadd.s32 s2, s18  }
0x6: {  	[smem:$0x3FC7] =	sst s2  }
0x7: {  	_ = 	snop  }
0x8: {  	s2 =	sld [smem:$0x3FD0];
	(tm) =	ssettm $0x1  }
0x9: {  	s19 =	sld [smem:$0x3FFB];
	_ =	sdelay $0x3  }
0xa: {  	_ =	strace s19  }
0xb: {  	s3 =	sld [smem:$0x3FFC];
	_ =	sdelay $0x3  }
0xc: {  	_ =	strace s3  }
0xd: {  	s3 =	sld [smem:$0x3FFD];
	_ =	sdelay $0x3  }
0xe: {  	_ =	strace s3  }
0xf: {  	_ =	strace $0x8FFFFFFF  }
0x10: {  	s20 =	sld [smem:$0x3FDB];
	_ =	sdelay $0x1  }
0x11: {  	s4 =	simm.s32 $_scs_section_size  }
0x12: {  	s5 =	simm.s32 $_size__tile_overlayer_lowered;
	s6 =	simm.s32 $_tile_overlayer_lowered  }
0x13: {  	s23 =	simm.s32 $0x1BFF;
	s22 =	sshll.u32 s6, $0x1;
	s3 =	sadd.s32 s4, s20  }
0x14: {  	s7 =	simm.s32 $0x0;
	s21 =	sshll.u32 s5, $0x1;
	s5 =	sadd.s32 s22, s3  }
0x15: {  	[timem:s7], [sflag:s23] =	dma.local [hbm:s5], s21  }
0x16: {  	_ =	swait.ge [sflag:s23], s21  }
0x17: {  	s4 =	ssub.s32 $0x0, s21;
	[sflag:s23] =	ssyncset.done $0x0  }
0x18: {  	[sflag:s23] =	ssyncadd.s32 s4;
	_ =	sdelay $0x1  }
0x19: {  	s24 =	simm.s32 $0x1B8B  }
0x1a: {  	_ =	swait.ge [sflag:s24], $0x1  }
0x1b: {  	[sflag:s24] =	ssyncset.done $0x0  }
0x1c: {  	s26 =	simm.s32 $0x1B8E;
	s25 =	sld [smem:$0x3FFE];
	[sflag:s24] =	ssyncadd.s32 $0xFFFFFFFF  }
0x1d: {  	s27 =	simm.s32 $execute0_lowered;
	[smem:$0x3FD2] =	sst s26  }
0x1e: {  	s5 =	sshll.u32 s27, $0x1;
	_ =	strace $0x80000046;
	[dreg:$0x1] =	wrdreg $0xFFFFFFFF  }
0x1f: {  	s28 =	simm.s32 $_size_execute0_lowered;
	s3 =	sadd.s32 s3, s5;
	[dreg:$0x0] =	wrdreg $0x0  }
0x20: {  	s5 =	sshll.u32 s28, $0x1;
	[dreg:$0x2] =	wrdreg s3  }
0x21: {  	[dreg:$0x3] =	wrdreg s5  }
0x22: {  	[dreg:$0x4] =	wrdreg $0xC0  }
0x23: {  	_ =	task [dreg:s7], $0x5FFFF  }
0x24: {  	[dreg:$0x1] =	wrdreg $0xFFFFFFFF  }
0x25: {  	[dreg:$0x0] =	wrdreg $0x60  }
0x26: {  	[dreg:$0x2] =	wrdreg s25  }
0x27: {  	[dreg:$0x3] =	wrdreg s2  }
0x28: {  	[dreg:$0x4] =	wrdreg $0x9  }
0x29: {  	_ =	task.clear_ibuf [dreg:s7], $0x5FFFF;
	_ =	strace $0x90000046  }
0x2a: {  	s29 =	simm.s32 $0x9;
	_ =	strace $0x80000048  }
0x2b: {  	_ =	swait.ge [sflag:s29], $0x1  }
0x2c: {  	[sflag:s29] =	ssyncadd.s32 $0xFFFFFFFF  }
0x2d: {  	_ =	strace $0x90000048  }
0x2e: {  	_ =	sfence  }
0x2f: {  	s30 =	sld [smem:$0x0];
	_ =	sdelay $0x2  }
0x30: {  	s31 =	sshll.u32 s1, $0xD;
	s1 =	sshrl.u32 s1, $0x2  }
0x31: {  	s3 =	sand.u32 $0x4000, s31;
	s1 =	sadd.s32 s1, s30  }
0x32: {  	s0 =	sor.u32 s3, s0;
	s1 =	sshll.u32 s1, $0x11  }
0x33: {  	s0 =	sor.u32 s1, s0  }
0x34: {  	s0 =	sadd.s32 $0x8F2B, s0  }
0x35: {  	[sflag:s0] =	ssyncadd.remote.s32 $0x1  }
0x36: {  	_ =	sfence.sel $0xFFFF  }
0x37: {  	[dreg:$0x0] =	wrdreg $0xFFFFFFFF;
	(pc) =	sbr.abs _section_cstart, $3  }
0x38: {  	[dreg:$0x1] =	wrdreg $0xFFFFFFFF  }
0x39: {  	_ =	task.clear_ibuf [dreg:s7], $0x2FFFF;
	_ =	strace $0x9FFFFFFF  }
0x3a: {  	(tm) =	ssettm $0x7FFFFFFF  }
0x3b: {  	_ =	shalt  }
tec
execute0_lowered:
.L_overlay_start_1:
0x0: {  	(tag) =	ssettag $0x1  }
0x1: {  	s0 =	srdreg.scid  }
0x2: {  	s1 =	sshll.u32 s0, $0x4  }
0x3: {  	s6 =	rddreg [dreg:$0x0];
	s0 =	stileid.u32;
	s1 =	sand.u32 $0x10, s1  }
0x4: {  	s3 =	rddreg [dreg:$0x1];
	s1 =	sor.u32 s0, s1  }
0x5: {  	s5 =	simm.s32 $0x1;
	s31 =	simm.s32 $0x2;
	s2 =	sshll.u32 s1, $0x7  }
0x6: {  	s14 =	simm.s32 $0x0;
	s8 =	simm.s32 $0x800;
	s4 =	ssub.s32 $0x1000, s2  }
0x7: {  	s9 =	simm.s32 $0x0;
	s15 =	simm.s32 $0x0;
	s30 =	sand.u32 $0xF80, s4  }
0x8: {  	s16 =	simm.s32 $0x0;
	s10 =	simm.s32 $0x0;
	p0 =	sne.s32 s30, $0x0  }
.Ltmp0:
0x9: {  	s7 =	sshrl.u32 s4, $0xC;
	s5 =	simm.s32 @!p0 $0x0;
	(pc) =	sbr.rel .LBB1_1-.Ltmp0, $4  }
0xa: {  	s11 =	simm.s32 $0x0;
	s1 =	rddreg [dreg:$0x2];
	s5 =	sadd.s32 s5, s7  }
0xb: {  	_ =	strace $0x80000047;
	s4 =	simm.s32 $0x1;
	s5 =	smul.u32 $0x64, s5  }
0xc: {  	s13 =	simm.s32 $0x0;
	s6 =	sadd.s32 $0x400, s6;
	[sflag:s4] =	ssyncpa.u1 $0x0  }
0xd: {  	s12 =	smov.u32 s2;
	[sflag:s31] =	ssyncpa.u1 $0x0;
	s7 =	sor.u32 $0x1, s5  }
.LBB1_4:
0xe: {  	_ =	sdelay $0x3  }
0xf: {  	[tilespmem:v0+s19+$0xFFFFFFD0 ss:$0x1] =	vst.idx.msk $0xffff, v6  }
0x10: {  	v56 =	vld.idx.msk [tilespmem:v1+s18+$0x0 ss:$0x1], $0xffff;
	[tilespmem:v0+s19+$0xFFFFFFE0 ss:$0x1] =	vst.idx.msk $0xffff, v4  }
0x11: {  	v57 =	vld.idx.msk [tilespmem:v1+s18+$0xFFFFFF90 ss:$0x1], $0xffff;
	[tilespmem:v0+s19+$0xFFFFFFF0 ss:$0x1] =	vst.idx.msk $0xffff, v2  }
0x12: {  	v58 =	vld.idx.msk [tilespmem:v1+s18+$0xFFFFFFA0 ss:$0x1], $0xffff;
	[tilespmem:v0+s19+$0x0 ss:$0x1] =	vst.idx.msk $0xffff, v3  }
0x13: {  	v59 =	vld.idx.msk [tilespmem:v1+s18+$0xFFFFFFB0 ss:$0x1], $0xffff;
	[tilespmem:v0+s19+$0x10 ss:$0x1] =	vst.idx.msk $0xffff, v5  }
0x14: {  	v60 =	vld.idx.msk [tilespmem:v1+s18+$0xFFFFFFC0 ss:$0x1], $0xffff;
	[tilespmem:v0+s19+$0x20 ss:$0x1] =	vst.idx.msk $0xffff, v7  }
0x15: {  	v61 =	vld.idx.msk [tilespmem:v1+s18+$0xFFFFFFD0 ss:$0x1], $0xffff;
	s27 =	sshll.u32 s16, $0x8;
	[tilespmem:v0+s18+$0x30 ss:$0x1] =	vst.idx.msk $0xffff, v56  }
0x16: {  	s20 =	sshll.u32 s14, $0x3;
	v62 =	vld.idx.msk [tilespmem:v1+s18+$0xFFFFFFE0 ss:$0x1], $0xffff;
	s28 =	sshll.u32 s16, $0x7;
	s30 =	sand.u32 $0x78, s14;
	[tilespmem:v0+s18+$0xFFFFFFC0 ss:$0x1] =	vst.idx.msk $0xffff, v57  }
0x17: {  	v63 =	vld.idx.msk [tilespmem:v1+s18+$0xFFFFFFF0 ss:$0x1], $0xffff;
	s15 =	sshll.u32 s15, $0x11;
	s19 =	sand.u32 $0xFF800, s27;
	s20 =	sand.u32 $0xFFC00, s20;
	[tilespmem:v0+s18+$0xFFFFFFD0 ss:$0x1] =	vst.idx.msk $0xffff, v58  }
0x18: {  	s29 =	sand.u32 $0x300, s28;
	s16 =	sand.u32 $0x80, s28;
	s19 =	sadd.s32 s19, s20;
	[tilespmem:v0+s18+$0xFFFFFFE0 ss:$0x1] =	vst.idx.msk $0xffff, v59  }
0x19: {  	s31 =	sand.u32 $0x7, s14;
	s16 =	sor.u32 s16, s30;
	s19 =	sor.u32 s29, s19;
	[tilespmem:v0+s18+$0xFFFFFFF0 ss:$0x1] =	vst.idx.msk $0xffff, v60  }
0x1a: {  	s15 =	sadd.s32 s3, s15;
	s16 =	sshrl.u32 s16, $0x3;
	s19 =	sshrl.u32 s19, $0x3;
	[tilespmem:v0+s18+$0x0 ss:$0x1] =	vst.idx.msk $0xffff, v61  }
0x1b: {  	s14 =	sshll.u32 s31, $0x12;
	s15 =	sadd.s32 s16, s15;
	[tilespmem:v0+s18+$0x10 ss:$0x1] =	vst.idx.msk $0xffff, v62;
	s19 =	sand.u32 $0x1FFE0, s19  }
0x1c: {  	s14 =	sor.u32 $0x400, s14;
	[tilespmem:v0+s18+$0x20 ss:$0x1] =	vst.idx.msk $0xffff, v63;
	s15 =	sadd.s32 s19, s15  }
0x1d: {  	[hbm4b:s15+s14] =	stream.strided.scatter [tilespmem:s17], [sflag:$0x2], $0x4000, s8, s14, $0x38;
	[tilespmem:$0x10000] =	vst v63  }
.LBB1_5:
0x1e: {  	s17 =	sadd.s32 $0x80, s10  }
0x1f: {  	s14 =	simm.s32 $0x1;
	p1 =	sgt.s32 s17, $0xFF  }
0x20: {  	s14 =	simm.s32 @!p1 $0x0  }
0x21: {  	s18 =	sadd.s32 s14, s11  }
0x22: {  	s20 =	smov.u32 s12;
	s14 =	sadd.s32 $0x1000, s12;
	p2 =	sgt.s32 s18, $0x31  }
0x23: {  	s20 =	smov.u32 @p2 s14  }
0x24: {  	p0 =	slt.u32 s13, $0x2;
	s17 =	simm.s32 @p1 $0x0;
	p1 =	sgt.s32 s20, $0xFFF  }
0x25: {  	s19 =	simm.s32 @!p0 $0x2;
	s20 =	smov.u32 @p1 s2;
	p1 =	sne.s32 s13, s7  }
.Ltmp1:
0x26: {  	_ =	swait.ge @!p0 [sflag:s19], $0x4000;
	(pc) =	sbr.rel @!p1 .LBB1_6-.Ltmp1, $4  }
0x27: {  	s15 =	smov.u32 s11;
	[sflag:s19] =	ssyncset.done @!p0 $0x0  }
0x28: {  	s16 =	smov.u32 s12;
	s9 =	sadd.s32 $0x4000, s9;
	[sflag:s19] =	ssyncadd.s32 @!p0 $0xFFFFC000  }
0x29: {  	s18 =	simm.s32 @p2 $0x0;
	s14 =	smov.u32 s10;
	s10 =	smov.u32 s17  }
0x2a: {  	s11 =	smov.u32 s18;
	s13 =	sadd.s32 $0x1, s13;
	s12 =	smov.u32 s20  }
.LBB1_1:
0x2b: {  	p0 =	sge.u32 s13, s5  }
0x2c: {  	s17 =	sshll.u32 @!p0 s11, $0x8;
	s18 =	sshll.u32 @!p0 s10, $0x3  }
0x2d: {  	s19 =	sshll.u32 @!p0 s11, $0x7;
	s17 =	sand.u32 @!p0 $0xFFFFF800, s17;
	s18 =	sand.u32 @!p0 $0xFFFFFC00, s18  }
0x2e: {  	s17 =	sadd.s32 @!p0 s17, s18;
	s18 =	sand.u32 @!p0 $0x300, s19  }
0x2f: {  	s17 =	sor.u32 @!p0 s18, s17  }
0x30: {  	s17 =	sshrl.u32 @!p0 s17, $0x8  }
0x31: {  	s31 =	sadd.s32 $0xFFFFFFFF, s13;
	s18 =	smulhi.u32 @!p0 $0x4924925, s17  }
0x32: {  	s20 =	sxor.u32 @!p0 $0xFFFFFFFF, s13;
	s21 =	sand.u32 @!p0 $0x78, s10;
	s22 =	smul.u32 @!p0 $0x700, s12  }
0x33: {  	s20 =	sshll.u32 @!p0 s20, $0xE;
	s19 =	sand.u32 @!p0 $0x80, s19;
	s18 =	smul.u32 @!p0 $0x38, s18  }
0x34: {  	s20 =	sand.u32 @!p0 $0x4000, s20;
	s19 =	sor.u32 @!p0 s21, s19;
	s21 =	sand.u32 @!p0 $0x7, s10  }
0x35: {  	s17 =	ssub.s32 @!p0 s17, s18;
	s18 =	sshrl.u32 @!p0 s19, $0x3;
	s19 =	sadd.s32 @!p0 s6, s22  }
0x36: {  	s17 =	sshll.u32 @!p0 s17, $0x5;
	s18 =	sadd.s32 @!p0 s18, s19;
	s19 =	sshll.u32 @!p0 s21, $0x12  }
0x37: {  	s17 =	sadd.s32 @!p0 s17, s18;
	s18 =	sor.u32 @!p0 $0x80, s19;
	s19 =	simm.s32 @!p0 $0x3800  }
0x38: {  	[tilespmem:s20], [sflag:$0x1] =	stream.strided.gather @!p0 [hbm4b:s17+s18], $0x4000, s19, s18, $0x38;
	[tilespmem:$0x10000] =	vst v63  }
0x39: {  	p0 =	sge.u32 s31, s5  }
.Ltmp2:
0x3a: {  	_ = 	snop;
	(pc) =	sbr.rel @p0 .LBB1_5-.Ltmp2, $1  }
0x3b: {  	_ =	sdelay $0x3  }
0x3c: {  	s17 =	sand.u32 $0x4000, s9  }
0x3d: {  	s18 =	sor.u32 $0x70, s17  }
0x3e: {  	v1 =	vmov s18;
	_ =	sdelay $0x1  }
0x3f: {  	_ =	swait.ge [sflag:s4], $0x4000  }
0x40: {  	[sflag:s4] =	ssyncset.done $0x0  }
0x41: {  	s19 =	simm.s32 $0x0;
	[sflag:s4] =	ssyncadd.s32 $0xFFFFC000  }
0x42: {  	s17 =	sor.u32 $0x8040, s17;
	v7 =	vld.idx.msk [tilespmem:v1+s19+$0x0 ss:$0x1], $0xffff  }
0x43: {  	v0 =	vmov s17;
	v8 =	vld.idx.msk [tilespmem:v1+s19+$0xFFFFFF90 ss:$0x1], $0xffff  }
0x44: {  	v6 =	vld.idx.msk [tilespmem:v1+s19+$0xFFFFFFA0 ss:$0x1], $0xffff  }
0x45: {  	v4 =	vld.idx.msk [tilespmem:v1+s19+$0xFFFFFFB0 ss:$0x1], $0xffff  }
0x46: {  	v2 =	vld.idx.msk [tilespmem:v1+s19+$0xFFFFFFC0 ss:$0x1], $0xffff  }
0x47: {  	s31 =	sshll.u32 s13, $0xE;
	v3 =	vld.idx.msk [tilespmem:v1+s19+$0xFFFFFFD0 ss:$0x1], $0xffff  }
0x48: {  	s17 =	sand.u32 $0x4000, s31;
	v5 =	vld.idx.msk [tilespmem:v1+s19+$0xFFFFFFE0 ss:$0x1], $0xffff;
	[tilespmem:v0+s19+$0x30 ss:$0x1] =	vst.idx.msk $0xffff, v7  }
0x49: {  	s20 =	simm.s32 $0x400;
	s18 =	simm.s32 $0x80;
	s17 =	sor.u32 $0x8000, s17;
	[tilespmem:v0+s19+$0xFFFFFFC0 ss:$0x1] =	vst.idx.msk $0xffff, v8;
	v7 =	vld.idx.msk [tilespmem:v1+s19+$0xFFFFFFF0 ss:$0x1], $0xffff  }
.LBB1_3:
0x4a: {  	p0 =	sne.s32 s20, $0xFE00;
	v8 =	vld.idx.msk [tilespmem:v1+s18+$0x0 ss:$0x1], $0xffff;
	[tilespmem:v0+s19+$0xFFFFFFD0 ss:$0x1] =	vst.idx.msk $0xffff, v6  }
0x4b: {  	v9 =	vld.idx.msk [tilespmem:v1+s18+$0xFFFFFF90 ss:$0x1], $0xffff;
	[tilespmem:v0+s19+$0xFFFFFFE0 ss:$0x1] =	vst.idx.msk $0xffff, v4  }
0x4c: {  	v6 =	vld.idx.msk [tilespmem:v1+s18+$0xFFFFFFA0 ss:$0x1], $0xffff;
	[tilespmem:v0+s19+$0xFFFFFFF0 ss:$0x1] =	vst.idx.msk $0xffff, v2  }
.Ltmp3:
0x4d: {  	v4 =	vld.idx.msk [tilespmem:v1+s18+$0xFFFFFFB0 ss:$0x1], $0xffff;
	[tilespmem:v0+s19+$0x0 ss:$0x1] =	vst.idx.msk $0xffff, v3;
	(pc) =	sbr.rel @p0 .LBB1_3-.Ltmp3, $4  }
0x4e: {  	v2 =	vld.idx.msk [tilespmem:v1+s18+$0xFFFFFFC0 ss:$0x1], $0xffff;
	[tilespmem:v0+s19+$0x10 ss:$0x1] =	vst.idx.msk $0xffff, v5  }
0x4f: {  	v3 =	vld.idx.msk [tilespmem:v1+s18+$0xFFFFFFD0 ss:$0x1], $0xffff;
	[tilespmem:v0+s19+$0x20 ss:$0x1] =	vst.idx.msk $0xffff, v7;
	s19 =	smov.u32 s18  }
0x50: {  	v5 =	vld.idx.msk [tilespmem:v1+s19+$0xFFFFFFE0 ss:$0x1], $0xffff;
	[tilespmem:v0+s19+$0x30 ss:$0x1] =	vst.idx.msk $0xffff, v8  }
0x51: {  	s18 =	sshra.s32 s20, $0x2;
	s20 =	sadd.s32 $0x200, s20;
	[tilespmem:v0+s19+$0xFFFFFFC0 ss:$0x1] =	vst.idx.msk $0xffff, v9;
	v7 =	vld.idx.msk [tilespmem:v1+s19+$0xFFFFFFF0 ss:$0x1], $0xffff  }
.Ltmp4:
0x52: {  	_ = 	snop;
	(pc) =	sbr.rel .LBB1_4-.Ltmp4, $1  }
0x53: {  	_ =	sdelay $0x3  }
.LBB1_6:
0x54: {  	_ =	sfence.sel $0x180000  }
0x55: {  	s2 =	simm.s32 $0x1;
	[bflag:$0x0] =	sbarrier.arrive $0xFFFF  }
0x56: {  	s31 =	simm.s32 $0x2;
	[sflag:s2] =	ssyncpa.u1 $0x1  }
0x57: {  	[sflag:s31] =	ssyncpa.u1 $0x1  }
0x58: {  	p0 =	sne.s32 s0, $0x0;
	_ =	strace $0x90000047  }
0x59: {  	s0 =	sadd.s32 @!p0 $0x100000, s1;
	[bflag:$0x2] =	sbarrier.arrive $0xFFFF  }
0x5a: {  	[sflag:s0] =	ssyncadd.tile.s32 @!p0 $0x1;
	_ =	shalt  }
.Lfunc_end1:
_tile_overlayer_lowered:
.L_overlay_start_2:
0x5b: {  	(tag) =	ssettag $0x2  }
0x5c: {  	s0 =	rddreg [dreg:$0x0];
	s2 =	stileid.u32  }
0x5d: {  	s1 =	rddreg [dreg:$0x1];
	p0 =	sne.s32 s2, $0x0  }
0x5e: {  	s3 =	rddreg [dreg:$0x2];
	[bflag:$0x3] =	sbarrier.arrive $0xFFFF;
	s2 =	simm.s32 @!p0 $0x1C01  }
0x5f: {  	[timem:s3], [sflag:s2] =	dma.local @!p0 [hbm:s0], s1  }
0x60: {  	s0 =	simm.s32 @!p0 $0x1  }
0x61: {  	_ =	swait.ge @!p0 [sflag:s0], s1  }
0x62: {  	s1 =	ssub.s32 @!p0 $0x0, s1;
	[sflag:s0] =	ssyncset.done @!p0 $0x0  }
0x63: {  	[sflag:s0] =	ssyncadd.s32 @!p0 s1  }
0x64: {  	[bflag:$0x3] =	sbarrier.arrive $0xFFFF  }
0x65: {  	_ =	shalt  }

</sc_bundles>
